<compile_context>
chip_gen: v7x
topology: tpu7x:2x2x1
jax: 0.10.2.dev20260603
libtpu: 0.0.44.dev20260713+nightly
codegen_flags: <defaults>
</compile_context>

<pallas_src>
import functools

import jax
import jax.numpy as jnp
from jax import lax
from jax.experimental import pallas as pl
from jax.experimental.pallas import tpu as pltpu
from jax.experimental.pallas import tpu_sc as plsc

_L = 16


def kernel(sent_group_scores, sel_sent_emb, sel_sent_masks, group_embs, candi_sent_masks, bias):
    B, S = sent_group_scores.shape
    n = B * S
    info = plsc.get_sparse_core_info()
    nc, ns = 1, info.num_subcores
    nw = nc * ns
    per_w = n // nw

    scores_flat = jnp.reshape(sent_group_scores, (n,))
    mask_flat = jnp.reshape(candi_sent_masks, (n,))
    bias_vec = jnp.broadcast_to(jnp.asarray(bias, jnp.float32), (_L,))

    mesh = plsc.VectorSubcoreMesh(core_axis_name="c", subcore_axis_name="s", num_cores=nc)

    @functools.partial(
        pl.kernel,
        mesh=mesh,
        out_type=jax.ShapeDtypeStruct((n,), jnp.float32),
        scratch_types=[
            pltpu.VMEM((per_w,), jnp.float32),
            pltpu.VMEM((per_w,), jnp.int32),
            pltpu.VMEM((_L,), jnp.float32),
            pltpu.SemaphoreType.DMA,
        ],
    )
    def sc_fn(scores_hbm, mask_hbm, bias_hbm, out_hbm, scores_v, mask_v, bias_v, sem):
        wid = lax.axis_index("s") * nc + lax.axis_index("c")
        base = wid * per_w
        h1 = pltpu.async_copy(scores_hbm.at[pl.ds(base, per_w)], scores_v, sem)
        h2 = pltpu.async_copy(mask_hbm.at[pl.ds(base, per_w)], mask_v, sem)
        h3 = pltpu.async_copy(bias_hbm, bias_v, sem)
        h1.wait()
        h2.wait()
        h3.wait()
        b = bias_v[...]

        @plsc.parallel_loop(0, per_w, _L, unroll=4)
        def _loop(i):
            sl = pl.ds(i, _L)
            scores_v[sl] = (scores_v[sl] + b) * mask_v[sl].astype(jnp.float32)
        pltpu.sync_copy(scores_v, out_hbm.at[pl.ds(base, per_w)])

    out_flat = sc_fn(scores_flat, mask_flat, bias_vec)
    return jnp.reshape(out_flat, (B, S))

# --- scband reference (transcript-rebuilt; emitter-appended) ---
"""Pipeline reference for scband-hit-map-bilinear-match-model-5695126635148 (READ-ONLY COPY).

The authoritative reference and input builder live on the scoring server;
editing this copy changes nothing except your own understanding.
"""

import jax, jax.numpy as jnp
import numpy as np

def setup_inputs(seed: int = 0) -> dict:
    key = jax.random.key(seed)
    k1, k2, k3, k4, k5 = jax.random.split(key, 5)
    B, S, SEL, D = 16, 2048, 128, 768
    return {
        "sent_group_scores": jax.random.normal(k1, (B, S), dtype=jnp.float32),
        "sel_sent_emb": jax.random.normal(k2, (B, SEL, D), dtype=jnp.float32),
        "sel_sent_masks": jax.random.randint(k3, (B, SEL), 0, 2, dtype=jnp.int32),
        "group_embs": jax.random.normal(k4, (B, S, D), dtype=jnp.float32),
        "candi_sent_masks": jax.random.randint(k5, (B, S), 0, 2, dtype=jnp.int32),
        "bias": jnp.zeros((), dtype=jnp.float32),
    }

def reference(sent_group_scores, sel_sent_emb, sel_sent_masks, group_embs, candi_sent_masks, bias):
    # Faithful translation of HitMapBilinearMatchModel.forward with
    # sel_sent_hit_map=None (its default), which selects the simple branch:
    #   h_3 = sent_group_scores + self.bias
    #   sent_scores = h_3 * candi_sent_masks.float()
    h_3 = sent_group_scores + bias
    sent_scores = h_3 * candi_sent_masks.astype(jnp.float32)
    return sent_scores

if __name__ == "__main__":
    import jax
    _d = setup_inputs()
    print(jax.jit(kernel)(*tuple(_d.values())))

</pallas_src>

<mosaic_0001>
#map = affine_map<(d0, d1) -> (0)>
module attributes {stable_mosaic.version = 14 : i64} {
  func.func @sc_fn(%arg0: i32, %arg1: i32, %arg2: memref<32768xf32, #tpu.memory_space<hbm>>, %arg3: memref<32768xi32, #tpu.memory_space<hbm>>, %arg4: memref<16xf32, #tpu.memory_space<hbm>>, %arg5: memref<32768xf32, #tpu.memory_space<hbm>>, %arg6: memref<2048xf32, #tpu.memory_space<vmem>>, %arg7: memref<2048xi32, #tpu.memory_space<vmem>>, %arg8: memref<16xf32, #tpu.memory_space<vmem>>, %arg9: memref<!tpu.dma_semaphore, #tpu.memory_space<semaphore_mem>>) attributes {dimension_semantics = [#tpu.dimension_semantics<core_parallel>, #tpu.dimension_semantics<subcore_parallel>], iteration_bounds = array<i64: 1, 16>, scalar_prefetch = 0 : i64, scratch_operands = 4 : i64, tpu.core_type = #tpu.core_type<sc_vector_subcore>, window_params = [{transform_indices = #map}, {transform_indices = #map}, {transform_indices = #map}, {transform_indices = #map}]} {
    %mul3A = arith.constant 1 : i32
    %mul3A_0 = arith.muli %arg1, %mul3A : i32
    %add3A = arith.addi %mul3A_0, %arg0 : i32
    %mul3A_1 = arith.constant 2048 : i32
    %mul3A_2 = arith.muli %add3A, %mul3A_1 : i32
    %dma_start3A = tpu.memref_slice %arg2[%mul3A_2] : memref<32768xf32, #tpu.memory_space<hbm>> -> memref<2048xf32, #tpu.memory_space<hbm>>
    %dma_start3A_3 = tpu.memref_slice %arg2[%mul3A_2] : memref<32768xf32, #tpu.memory_space<hbm>> -> memref<2048xf32, #tpu.memory_space<hbm>>
    tpu.enqueue_dma source(%dma_start3A_3 : memref<2048xf32, #tpu.memory_space<hbm>>) target(%arg6 : memref<2048xf32, #tpu.memory_space<vmem>>) target_semaphore(%arg9 : memref<!tpu.dma_semaphore, #tpu.memory_space<semaphore_mem>>)
    %dma_start3A_4 = tpu.memref_slice %arg3[%mul3A_2] : memref<32768xi32, #tpu.memory_space<hbm>> -> memref<2048xi32, #tpu.memory_space<hbm>>
    %dma_start3A_5 = tpu.memref_slice %arg3[%mul3A_2] : memref<32768xi32, #tpu.memory_space<hbm>> -> memref<2048xi32, #tpu.memory_space<hbm>>
    tpu.enqueue_dma source(%dma_start3A_5 : memref<2048xi32, #tpu.memory_space<hbm>>) target(%arg7 : memref<2048xi32, #tpu.memory_space<vmem>>) target_semaphore(%arg9 : memref<!tpu.dma_semaphore, #tpu.memory_space<semaphore_mem>>)
    tpu.enqueue_dma source(%arg4 : memref<16xf32, #tpu.memory_space<hbm>>) target(%arg8 : memref<16xf32, #tpu.memory_space<vmem>>) target_semaphore(%arg9 : memref<!tpu.dma_semaphore, #tpu.memory_space<semaphore_mem>>)
    %dma_wait3A = tpu.memref_slice %arg2[%mul3A_2] : memref<32768xf32, #tpu.memory_space<hbm>> -> memref<2048xf32, #tpu.memory_space<hbm>>
    %dma_wait3A_6 = tpu.memref_slice %arg2[%mul3A_2] : memref<32768xf32, #tpu.memory_space<hbm>> -> memref<2048xf32, #tpu.memory_space<hbm>>
    tpu.wait_dma2 semaphore(%arg9 : memref<!tpu.dma_semaphore, #tpu.memory_space<semaphore_mem>>) src(%dma_wait3A_6 : memref<2048xf32, #tpu.memory_space<hbm>>) dst(%arg6 : memref<2048xf32, #tpu.memory_space<vmem>>)
    %dma_wait3A_7 = tpu.memref_slice %arg3[%mul3A_2] : memref<32768xi32, #tpu.memory_space<hbm>> -> memref<2048xi32, #tpu.memory_space<hbm>>
    %dma_wait3A_8 = tpu.memref_slice %arg3[%mul3A_2] : memref<32768xi32, #tpu.memory_space<hbm>> -> memref<2048xi32, #tpu.memory_space<hbm>>
    tpu.wait_dma2 semaphore(%arg9 : memref<!tpu.dma_semaphore, #tpu.memory_space<semaphore_mem>>) src(%dma_wait3A_8 : memref<2048xi32, #tpu.memory_space<hbm>>) dst(%arg7 : memref<2048xi32, #tpu.memory_space<vmem>>)
    tpu.wait_dma2 semaphore(%arg9 : memref<!tpu.dma_semaphore, #tpu.memory_space<semaphore_mem>>) src(%arg4 : memref<16xf32, #tpu.memory_space<hbm>>) dst(%arg8 : memref<16xf32, #tpu.memory_space<vmem>>)
    %get3A = arith.constant 0 : index
    %get3A_9 = tpu.vector_load %arg8[%get3A] {strides = array<i32>} : memref<16xf32, #tpu.memory_space<vmem>>, vector<16xf32>,
    %get3A_10 = vector.shape_cast %get3A_9 : vector<16xf32> to vector<16xf32>
    %parallel_loop3A = arith.constant 0 : i32
    %parallel_loop3A_11 = arith.constant 2048 : i32
    %parallel_loop3A_12 = arith.constant 16 : i32
    scf.for %parallel_loop3A_13 = %parallel_loop3A to %parallel_loop3A_11 step %parallel_loop3A_12  : i32 {
      %parallel_loop3A_14 = arith.index_cast %parallel_loop3A_13 : i32 to index
      %parallel_loop3A_15 = tpu.vector_load %arg6[%parallel_loop3A_14] {strides = array<i32>} : memref<2048xf32, #tpu.memory_space<vmem>>, vector<16xf32>,
      %parallel_loop3A_16 = vector.shape_cast %parallel_loop3A_15 : vector<16xf32> to vector<16xf32>
      %parallel_loop3A_17 = arith.addf %parallel_loop3A_16, %get3A_10 : vector<16xf32>
      %parallel_loop3A_18 = arith.index_cast %parallel_loop3A_13 : i32 to index
      %parallel_loop3A_19 = tpu.vector_load %arg7[%parallel_loop3A_18] {strides = array<i32>} : memref<2048xi32, #tpu.memory_space<vmem>>, vector<16xi32>,
      %parallel_loop3A_20 = vector.shape_cast %parallel_loop3A_19 : vector<16xi32> to vector<16xi32>
      %parallel_loop3A_21 = arith.sitofp %parallel_loop3A_20 : vector<16xi32> to vector<16xf32>
      %parallel_loop3A_22 = arith.mulf %parallel_loop3A_17, %parallel_loop3A_21 : vector<16xf32>
      %parallel_loop3A_23 = arith.index_cast %parallel_loop3A_13 : i32 to index
      %parallel_loop3A_24 = tpu.vector_load %arg6[%parallel_loop3A_23] {strides = array<i32>} : memref<2048xf32, #tpu.memory_space<vmem>>, vector<16xf32>,
      %parallel_loop3A_25 = vector.shape_cast %parallel_loop3A_24 : vector<16xf32> to vector<16xf32>
      %parallel_loop3A_26 = vector.shape_cast %parallel_loop3A_22 : vector<16xf32> to vector<16xf32>
      tpu.vector_store %arg6[%parallel_loop3A_23], %parallel_loop3A_26 {strides = array<i32>} : memref<2048xf32, #tpu.memory_space<vmem>>, vector<16xf32>,
    } {sc.loop_unroll_factor = 4 : i64, sc.parallel_access}
    "tpu.region"() ({
      %run_scoped3A = tpu.sem_alloc : memref<!tpu.dma_semaphore, #tpu.memory_space<semaphore_mem>>
      %dma_start3A_13 = tpu.memref_slice %arg5[%mul3A_2] : memref<32768xf32, #tpu.memory_space<hbm>> -> memref<2048xf32, #tpu.memory_space<hbm>>
      %dma_start3A_14 = tpu.memref_slice %arg5[%mul3A_2] : memref<32768xf32, #tpu.memory_space<hbm>> -> memref<2048xf32, #tpu.memory_space<hbm>>
      tpu.enqueue_dma source(%arg6 : memref<2048xf32, #tpu.memory_space<vmem>>) target(%dma_start3A_14 : memref<2048xf32, #tpu.memory_space<hbm>>) target_semaphore(%run_scoped3A : memref<!tpu.dma_semaphore, #tpu.memory_space<semaphore_mem>>)
      %dma_wait3A_15 = tpu.memref_slice %arg5[%mul3A_2] : memref<32768xf32, #tpu.memory_space<hbm>> -> memref<2048xf32, #tpu.memory_space<hbm>>
      %dma_wait3A_16 = tpu.memref_slice %arg5[%mul3A_2] : memref<32768xf32, #tpu.memory_space<hbm>> -> memref<2048xf32, #tpu.memory_space<hbm>>
      tpu.wait_dma2 semaphore(%run_scoped3A : memref<!tpu.dma_semaphore, #tpu.memory_space<semaphore_mem>>) src(%arg6 : memref<2048xf32, #tpu.memory_space<vmem>>) dst(%dma_wait3A_16 : memref<2048xf32, #tpu.memory_space<hbm>>)
      tpu.yield
    }) : () -> ()
    return
  }
}

</mosaic_0001>

<sc_bundles>
// kernel: kernel.3.cloned.1.call-start
scs
__scs_entry_jumppad:
0x0: {  	(pc) =	sbr.rel $0x88, $3  }
0x1: {  	(tag) =	ssettag $0x0;
	lr =	simm.s32 $0x1  }
0x2: {  	[smem:$0x3F9E] =	sst lr;
	_ =	strace $0xD0000000  }
0x3: {  	_ = 	snop  }
0x4: {  	_ = 	snop  }
0x5: {  	_ = 	snop  }
0x6: {  	_ = 	snop  }
0x7: {  	_ = 	snop  }
__scs_overlays_trampoline_lowered:
0x8: {  	[smem:$0x3FAD] =	sst s0  }
0x9: {  	[smem:$0x3FAE] =	sst s1  }
0xa: {  	[smem:$0x3FAF] =	sst s2  }
0xb: {  	[smem:$0x3FB0] =	sst s3  }
0xc: {  	[smem:$0x3FB1] =	sst s4  }
0xd: {  	[smem:$0x3FB2] =	sst s5  }
0xe: {  	[smem:$0x3FB3] =	sst s6  }
0xf: {  	[smem:$0x3FB4] =	sst s7  }
0x10: {  	[smem:$0x3FB5] =	sst s8  }
0x11: {  	[smem:$0x3FB6] =	sst s9;
	s0 =	simm.s32 @!p0 $0x0  }
0x12: {  	s1 =	sld [smem:$0x3F9C];
	s0 =	simm.s32 @p0 $0x1  }
0x13: {  	[smem:$0x3FB7] =	sst s0;
	s0 =	simm.s32 @!p1 $0x0  }
0x14: {  	s2 =	sld [smem:$0x3F9B];
	s0 =	simm.s32 @p1 $0x1  }
0x15: {  	[smem:$0x3FB8] =	sst s0;
	s0 =	simm.s32 @!p2 $0x0  }
0x16: {  	s3 =	sld [smem:$0x3FDB];
	s0 =	simm.s32 @p2 $0x1  }
0x17: {  	s4 =	simm.s32 $0x1BF5;
	[smem:$0x3FBA] =	sst s0  }
0x18: {  	s0 =	sld [smem:$0x3F9D];
	_ =	swait.ge [sflag:s4], $0x0  }
0x19: {  	s7 =	sld [smem:$0x3F9E]  }
0x1a: {  	s8 =	sadd.s32 $0xFFFFE003, lr  }
0x1b: {  	s9 =	sadd.s32 $0xFFFFFEF7, lr;
	s5 =	simm.s32 $0xFFFFFFFF;
	p2 =	slt.u32 s8, $0xFFFFF086  }
0x1c: {  	p1 =	slt.u32 s9, $0xF7A;
	s5 =	simm.s32 @!p2 $0x0  }
0x1d: {  	s5 =	simm.s32 @p1 $0x1;
	p0 =	seq.s32 s7, s2  }
0x1e: {  	s7 =	smul.u32 @!p0 $0xF7A, s2;
	p2 =	seq.s32 @!p0 s5, $0x0  }
0x1f: {  	s9 =	smul.u32 $0xF7A, s1;
	s8 =	simm.s32 @!p0 $0x1BF5;
	p2 =	por !p2, p0  }
0x20: {  	[sflag:s8] =	ssyncset.s32 @!p0 $0xFFFFF086;
	s6 =	sadd.s32 @!p0 s3, s7;
	s7 =	simm.s32 @!p0 $0x108  }
0x21: {  	s3 =	sadd.s32 s3, s9;
	s6 =	sadd.s32 @!p0 $0x88, s6;
	s7 =	simm.s32 @p2 $0x1082  }
0x22: {  	[simem:s7], [sflag:s8] =	dma.local @!p0 [hbm:s6], $0xF7A  }
0x23: {  	s9 =	sor.u32 $0xD0000000, s2;
	s6 =	simm.s32 $0x108;
	_ =	swait.ge @!p0 [sflag:s8], $0x0  }
0x24: {  	s3 =	sadd.s32 $0x88, s3;
	s6 =	simm.s32 @!p1 $0x1082;
	[sflag:s4] =	ssyncset.s32 $0xFFFFF086  }
0x25: {  	[simem:s6], [sflag:s4] =	dma.local [hbm:s3], $0xF7A  }
0x26: {  	[smem:$0x3F9E] =	sst s1;
	(tag) =	ssettag s2;
	_ =	strace s9  }
0x27: {  	s1 =	sld [smem:$0x3FAE]  }
0x28: {  	s2 =	sld [smem:$0x3FAF]  }
0x29: {  	s4 =	sld [smem:$0x3FB1]  }
0x2a: {  	p0 =	seq.s32 s5, $0x0;
	s5 =	sld [smem:$0x3FB2]  }
0x2b: {  	s6 =	sld [smem:$0x3FB3]  }
0x2c: {  	s7 =	sld [smem:$0x3FB4]  }
0x2d: {  	s3 =	simm.s32 $0x108;
	s8 =	sld [smem:$0x3FB5]  }
0x2e: {  	s3 =	simm.s32 @!p0 $0x1082;
	s9 =	sld [smem:$0x3FB6]  }
0x2f: {  	lr =	sadd.s32 s0, s3;
	s0 =	sld [smem:$0x3FAD]  }
0x30: {  	s3 =	sld [smem:$0x3FB0]  }
0x31: {  	[smem:$0x3FB9] =	sst s10  }
0x32: {  	s10 =	sld [smem:$0x3FB7];
	_ =	sdelay $0x3  }
0x33: {  	p0 =	seq.s32 s10, $0x1;
	s10 =	sld [smem:$0x3FB9];
	_ =	sdelay $0x3  }
0x34: {  	[smem:$0x3FB9] =	sst s10  }
0x35: {  	s10 =	sld [smem:$0x3FB8];
	_ =	sdelay $0x3  }
0x36: {  	p1 =	seq.s32 s10, $0x1;
	s10 =	sld [smem:$0x3FB9];
	_ =	sdelay $0x3  }
0x37: {  	[smem:$0x3FB9] =	sst s10  }
0x38: {  	s10 =	sld [smem:$0x3FBA]  }
0x39: {  	_ = 	snop;
	(pc) =	sbr.ind lr, $3  }
0x3a: {  	_ = 	snop  }
0x3b: {  	_ = 	snop  }
0x3c: {  	p2 =	seq.s32 s10, $0x1;
	s10 =	sld [smem:$0x3FB9]  }
0x3d: {  	_ =	shalt  }
0x3e: {  	_ =	shalt  }
0x3f: {  	_ =	shalt  }
0x40: {  	_ =	shalt  }
0x41: {  	_ =	shalt  }
0x42: {  	_ =	shalt  }
0x43: {  	_ =	shalt  }
0x44: {  	_ =	shalt  }
0x45: {  	_ =	shalt  }
0x46: {  	_ =	shalt  }
0x47: {  	_ =	shalt  }
0x48: {  	_ =	shalt  }
0x49: {  	_ =	shalt  }
0x4a: {  	_ =	shalt  }
0x4b: {  	_ =	shalt  }
0x4c: {  	_ =	shalt  }
0x4d: {  	_ =	shalt  }
0x4e: {  	_ =	shalt  }
0x4f: {  	_ =	shalt  }
0x50: {  	_ =	shalt  }
0x51: {  	_ =	shalt  }
0x52: {  	_ =	shalt  }
0x53: {  	_ =	shalt  }
0x54: {  	_ =	shalt  }
0x55: {  	_ =	shalt  }
0x56: {  	_ =	shalt  }
0x57: {  	_ =	shalt  }
0x58: {  	_ =	shalt  }
0x59: {  	_ =	shalt  }
0x5a: {  	_ =	shalt  }
0x5b: {  	_ =	shalt  }
0x5c: {  	_ =	shalt  }
0x5d: {  	_ =	shalt  }
0x5e: {  	_ =	shalt  }
0x5f: {  	_ =	shalt  }
0x60: {  	_ =	shalt  }
0x61: {  	_ =	shalt  }
0x62: {  	_ =	shalt  }
0x63: {  	_ =	shalt  }
0x64: {  	_ =	shalt  }
0x65: {  	_ =	shalt  }
0x66: {  	_ =	shalt  }
0x67: {  	_ =	shalt  }
0x68: {  	_ =	shalt  }
0x69: {  	_ =	shalt  }
0x6a: {  	_ =	shalt  }
0x6b: {  	_ =	shalt  }
0x6c: {  	_ =	shalt  }
0x6d: {  	_ =	shalt  }
0x6e: {  	_ =	shalt  }
0x6f: {  	_ =	shalt  }
0x70: {  	_ =	shalt  }
0x71: {  	_ =	shalt  }
0x72: {  	_ =	shalt  }
0x73: {  	_ =	shalt  }
0x74: {  	_ =	shalt  }
0x75: {  	_ =	shalt  }
0x76: {  	_ =	shalt  }
0x77: {  	_ =	shalt  }
0x78: {  	_ =	shalt  }
0x79: {  	_ =	shalt  }
0x7a: {  	_ =	shalt  }
0x7b: {  	_ =	shalt  }
0x7c: {  	_ =	shalt  }
0x7d: {  	_ =	shalt  }
0x7e: {  	_ =	shalt  }
0x7f: {  	_ =	shalt  }
0x80: {  	_ =	shalt  }
0x81: {  	_ =	shalt  }
0x82: {  	_ =	shalt  }
0x83: {  	_ =	shalt  }
0x84: {  	_ =	shalt  }
0x85: {  	_ =	shalt  }
0x86: {  	_ =	shalt  }
0x87: {  	_ =	shalt  }
.Lfunc_end0:
.L_simem_size_0:
called_computation_lowered:
.L_overlay_start_0:
0x88: {  	s0 =	sld [smem:$0x3FD9]  }
0x89: {  	s1 =	sld [smem:$0x3FFE];
	_ =	sdelay $0x3  }
0x8a: {  	s0 =	sadd.s32 s1, s0  }
0x8b: {  	[smem:$0x3FC5] =	sst s0  }
0x8c: {  	_ = 	snop  }
0x8d: {  	s0 =	sld [smem:$0x3FD0];
	(tm) =	ssettm $0x1  }
0x8e: {  	s16 =	sld [smem:$0x3FFB];
	_ =	sdelay $0x3  }
0x8f: {  	_ =	strace s16  }
0x90: {  	s1 =	sld [smem:$0x3FFC];
	_ =	sdelay $0x3  }
0x91: {  	_ =	strace s1  }
0x92: {  	s1 =	sld [smem:$0x3FFD];
	_ =	sdelay $0x3  }
0x93: {  	_ =	strace s1  }
0x94: {  	_ =	strace $0x8FFFFFFF  }
0x95: {  	s17 =	sld [smem:$0x3FDB];
	_ =	sdelay $0x1  }
0x96: {  	s2 =	simm.s32 $_scs_section_size  }
0x97: {  	s3 =	simm.s32 $_size__tile_overlayer_lowered;
	s4 =	simm.s32 $_tile_overlayer_lowered  }
0x98: {  	s20 =	simm.s32 $0x1BFF;
	s19 =	sshll.u32 s4, $0x1;
	s1 =	sadd.s32 s2, s17  }
0x99: {  	s5 =	simm.s32 $0x0;
	s18 =	sshll.u32 s3, $0x1;
	s3 =	sadd.s32 s19, s1  }
0x9a: {  	[timem:s5], [sflag:s20] =	dma.local [hbm:s3], s18  }
0x9b: {  	_ =	swait.ge [sflag:s20], s18  }
0x9c: {  	s2 =	ssub.s32 $0x0, s18;
	[sflag:s20] =	ssyncset.done $0x0  }
0x9d: {  	[sflag:s20] =	ssyncadd.s32 s2;
	_ =	sdelay $0x1  }
0x9e: {  	s21 =	simm.s32 $0x1B8B  }
0x9f: {  	_ =	swait.ge [sflag:s21], $0x1  }
0xa0: {  	[sflag:s21] =	ssyncset.done $0x0  }
0xa1: {  	s23 =	simm.s32 $0x1B8E;
	s22 =	sld [smem:$0x3FFE];
	[sflag:s21] =	ssyncadd.s32 $0xFFFFFFFF  }
0xa2: {  	s24 =	simm.s32 $execute0_lowered;
	[smem:$0x3FD2] =	sst s23  }
0xa3: {  	s3 =	sshll.u32 s24, $0x1;
	_ =	strace $0x80000046;
	[dreg:$0x1] =	wrdreg $0xFFFFFFFF  }
0xa4: {  	s25 =	simm.s32 $_size_execute0_lowered;
	s1 =	sadd.s32 s1, s3;
	[dreg:$0x0] =	wrdreg $0x0  }
0xa5: {  	s3 =	sshll.u32 s25, $0x1;
	[dreg:$0x2] =	wrdreg s1  }
0xa6: {  	[dreg:$0x3] =	wrdreg s3  }
0xa7: {  	[dreg:$0x4] =	wrdreg $0xC0  }
0xa8: {  	_ =	task [dreg:s5], $0x5FFFF  }
0xa9: {  	[dreg:$0x1] =	wrdreg $0xFFFFFFFF  }
0xaa: {  	[dreg:$0x0] =	wrdreg $0x60  }
0xab: {  	[dreg:$0x2] =	wrdreg s0  }
0xac: {  	[dreg:$0x3] =	wrdreg s22  }
0xad: {  	[dreg:$0x4] =	wrdreg $0x9  }
0xae: {  	_ =	task.clear_ibuf [dreg:s5], $0x5FFFF;
	_ =	strace $0x90000046  }
0xaf: {  	s26 =	simm.s32 $0x9;
	_ =	strace $0x80000048  }
0xb0: {  	_ =	swait.ge [sflag:s26], $0x1  }
0xb1: {  	[sflag:s26] =	ssyncadd.s32 $0xFFFFFFFF  }
0xb2: {  	_ =	strace $0x90000048  }
0xb3: {  	_ =	sfence  }
0xb4: {  	s28 =	sld [smem:$0x0];
	_ =	sdelay $0x1  }
0xb5: {  	s29 =	srdreg.scid  }
0xb6: {  	s30 =	sshll.u32 s29, $0xD;
	s31 =	sshrl.u32 s29, $0x2  }
0xb7: {  	s2 =	sand.u32 $0x4000, s30;
	s1 =	sand.u32 $0x1, s29;
	s0 =	sadd.s32 s31, s28  }
0xb8: {  	s1 =	sor.u32 s2, s1;
	s0 =	sshll.u32 s0, $0x11  }
0xb9: {  	s0 =	sor.u32 s0, s1  }
0xba: {  	s0 =	sadd.s32 $0x8F2B, s0  }
0xbb: {  	[sflag:s0] =	ssyncadd.remote.s32 $0x1  }
0xbc: {  	_ =	sfence.sel $0xFFFF  }
0xbd: {  	[dreg:$0x0] =	wrdreg $0xFFFFFFFF;
	(pc) =	sbr.abs _section_cstart, $3  }
0xbe: {  	[dreg:$0x1] =	wrdreg $0xFFFFFFFF  }
0xbf: {  	_ =	task.clear_ibuf [dreg:s5], $0x2FFFF;
	_ =	strace $0x9FFFFFFF  }
0xc0: {  	(tm) =	ssettm $0x7FFFFFFF  }
0xc1: {  	_ =	shalt  }
tec
execute0_lowered:
.L_overlay_start_1:
0x0: {  	(tag) =	ssettag $0x1  }
0x1: {  	s3 =	rddreg [dreg:$0x0]  }
0x2: {  	s6 =	rddreg [dreg:$0x1]  }
0x3: {  	s0 =	rddreg [dreg:$0x2];
	s4 =	simm.s32 $0x0;
	s1 =	stileid.u32  }
0x4: {  	[smem:$0x7FF] =	sst s4;
	s2 =	sshll.u32 s1, $0x8  }
0x5: {  	_ =	strace $0x80000047;
	s5 =	sadd.s32 s2, s6;
	s3 =	sadd.s32 s3, s2  }
0x6: {  	[tilespmem:s4], [sflag:$0x1] =	stream.linear.gather [hbm4b:s3+s4], $0x800, $0x38;
	[tilespmem:$0x1080] =	vst v63  }
0x7: {  	s26 =	simm.s32 $0x800;
	s25 =	sadd.s32 $0x600, s5  }
0x8: {  	[tilespmem:s26], [sflag:$0x1] =	stream.linear.gather [hbm4b:s25+s4], $0x800, $0x38;
	[tilespmem:$0x1080] =	vst v63  }
0x9: {  	s29 =	simm.s32 $0x1000;
	s30 =	simm.s32 $0x1;
	s28 =	sadd.s32 $0x1600, s6  }
0xa: {  	[tilespmem:s29], [sflag:$0x1] =	stream.linear.gather [hbm4b:s28+s4], $0x80, $0x38;
	[tilespmem:$0x1080] =	vst v63  }
0xb: {  	_ =	swait.ge [sflag:s30], $0x800  }
0xc: {  	[sflag:s30] =	ssyncset.done $0x0  }
0xd: {  	[sflag:s30] =	ssyncadd.s32 $0xFFFFF800  }
0xe: {  	_ =	swait.ge [sflag:s30], $0x800  }
0xf: {  	[sflag:s30] =	ssyncset.done $0x0  }
0x10: {  	[sflag:s30] =	ssyncadd.s32 $0xFFFFF800  }
0x11: {  	_ =	swait.ge [sflag:s30], $0x80  }
0x12: {  	[sflag:s30] =	ssyncset.done $0x0  }
0x13: {  	[sflag:s30] =	ssyncadd.s32 $0xFFFFFF80  }
0x14: {  	s3 =	simm.s32 $0x20;
	v0 =	vld [tilespmem:$0x1000]  }
0x15: {  	s31 =	simm.s32 $0x820;
	v1 =	vld [tilespmem:s3+$0x10]  }
0x16: {  	v2 =	vld [tilespmem:s31+$0x10]  }
0x17: {  	v3 =	vld [tilespmem:s31+$0xFFFFFFE0]  }
0x18: {  	v4 =	vld [tilespmem:s3+$0xFFFFFFF0]  }
0x19: {  	v5 =	vld [tilespmem:s31+$0xFFFFFFF0]  }
0x1a: {  	v6 =	vld [tilespmem:s3+$0x0]  }
0x1b: {  	v7 =	vld [tilespmem:s31+$0x0]  }
0x1c: {  	s4 =	simm.s32 $0x60;
	v8 =	vld [tilespmem:s3+$0xFFFFFFE0]  }
0x1d: {  	s5 =	simm.s32 $0x860;
	v9 =	vld [tilespmem:s4+$0x10];
	v1 =	vadd.f32 v1, v0;
	v2 =	vcvt.s32.f32 v2  }
0x1e: {  	v10 =	vld [tilespmem:s5+$0x10]  }
0x1f: {  	v12 =	vld [tilespmem:s5+$0xFFFFFFE0];
	v4 =	vadd.f32 v4, v0;
	v11 =	vcvt.s32.f32 v5;
	v1 =	vmul.f32 v2, v1  }
0x20: {  	v6 =	vadd.f32 v6, v0;
	v5 =	vld [tilespmem:s4+$0xFFFFFFF0];
	v7 =	vcvt.s32.f32 v7  }
0x21: {  	v4 =	vmul.f32 v11, v4;
	v2 =	vld [tilespmem:s5+$0xFFFFFFF0];
	v11 =	vcvt.s32.f32 v3;
	[tilespmem:s3+$0x10] =	vst v1;
	v1 =	vadd.f32 v8, v0  }
0x22: {  	v3 =	vld [tilespmem:s4+$0x0];
	v13 =	vmul.f32 v7, v6  }
0x23: {  	v9 =	vadd.f32 v9, v0;
	v7 =	vcvt.s32.f32 v10;
	[tilespmem:s3+$0xFFFFFFF0] =	vst v4;
	v4 =	vld [tilespmem:s5+$0x0];
	v8 =	vmul.f32 v11, v1  }
0x24: {  	s7 =	simm.s32 $0x40;
	s8 =	simm.s32 $0xA0;
	s6 =	sadd.s32 $0x1800, s6;
	v6 =	vld [tilespmem:s4+$0xFFFFFFE0];
	[tilespmem:s3+$0x0] =	vst v13;
	v1 =	vcvt.s32.f32 v12  }
.LBB2_1:
0x25: {  	v10 =	vld [tilespmem:s8+$0x10];
	v11 =	vadd.f32 v5, v0;
	v5 =	vmul.f32 v7, v9;
	s5 =	sadd.s32 $0x40, s5;
	[tilespmem:s3+$0xFFFFFFE0] =	vst v8;
	s3 =	smov.u32 s4;
	s4 =	smov.u32 s8  }
0x26: {  	s7 =	sadd.s32 $0x40, s7;
	v7 =	vld [tilespmem:s5+$0x10];
	v2 =	vcvt.s32.f32 v2  }
0x27: {  	p0 =	slt.u32 s7, $0x7C0;
	v12 =	vld [tilespmem:s5+$0xFFFFFFE0];
	v8 =	vadd.f32 v3, v0;
	[tilespmem:s3+$0x10] =	vst v5  }
.Ltmp0:
0x28: {  	v5 =	vld [tilespmem:s8+$0xFFFFFFF0];
	v9 =	vmul.f32 v2, v11;
	v4 =	vcvt.s32.f32 v4;
	(pc) =	sbr.rel @p0 .LBB2_1-.Ltmp0, $4  }
0x29: {  	v2 =	vld [tilespmem:s5+$0xFFFFFFF0];
	v6 =	vadd.f32 v6, v0  }
0x2a: {  	v3 =	vld [tilespmem:s8+$0x0];
	[tilespmem:s3+$0xFFFFFFF0] =	vst v9;
	v11 =	vmul.f32 v4, v8  }
0x2b: {  	v9 =	vadd.f32 v10, v0;
	v4 =	vld [tilespmem:s5+$0x0];
	v7 =	vcvt.s32.f32 v7;
	v8 =	vmul.f32 v1, v6  }
0x2c: {  	s8 =	sadd.s32 $0x40, s8;
	v6 =	vld [tilespmem:s4+$0xFFFFFFE0];
	v1 =	vcvt.s32.f32 v12;
	[tilespmem:s3+$0x0] =	vst v11  }
0x2d: {  	_ =	sdelay $0x1  }
0x2e: {  	v5 =	vadd.f32 v5, v0;
	v2 =	vcvt.s32.f32 v2  }
0x2f: {  	v7 =	vmul.f32 v7, v9;
	v3 =	vadd.f32 v3, v0;
	v4 =	vcvt.s32.f32 v4  }
0x30: {  	[tilespmem:s3+$0xFFFFFFE0] =	vst v8;
	v2 =	vmul.f32 v2, v5;
	v63 =	vadd.f32 v6, v0  }
0x31: {  	[tilespmem:s4+$0x10] =	vst v7;
	v3 =	vmul.f32 v4, v3  }
0x32: {  	[tilespmem:s4+$0xFFFFFFF0] =	vst v2;
	v0 =	vmul.f32 v1, v63  }
0x33: {  	[tilespmem:s4+$0x0] =	vst v3  }
0x34: {  	s2 =	sadd.s32 s6, s2;
	s30 =	simm.s32 $0x0;
	s31 =	simm.s32 $0x2;
	[tilespmem:s4+$0xFFFFFFE0] =	vst v0  }
0x35: {  	[hbm4b:s2+s30] =	stream.linear.scatter [tilespmem:s30], [sflag:$0x2], $0x800, $0x38;
	[tilespmem:$0x1080] =	vst v63  }
0x36: {  	_ =	swait.ge [sflag:s31], $0x800  }
0x37: {  	[sflag:s31] =	ssyncset.done $0x0  }
0x38: {  	[sflag:s31] =	ssyncadd.s32 $0xFFFFF800  }
0x39: {  	_ =	sfence.sel $0x180000  }
0x3a: {  	[bflag:$0x0] =	sbarrier.arrive $0xFFFF  }
0x3b: {  	p0 =	sne.s32 s1, $0x0;
	_ =	strace $0x90000047  }
0x3c: {  	s0 =	sadd.s32 @!p0 $0x100000, s0;
	[bflag:$0x2] =	sbarrier.arrive $0xFFFF  }
0x3d: {  	[sflag:s0] =	ssyncadd.tile.s32 @!p0 $0x1;
	_ =	shalt  }
.Lfunc_end2:
_tile_overlayer_lowered:
.L_overlay_start_2:
0x3e: {  	(tag) =	ssettag $0x2  }
0x3f: {  	s0 =	rddreg [dreg:$0x0];
	s2 =	stileid.u32  }
0x40: {  	s1 =	rddreg [dreg:$0x1];
	p0 =	sne.s32 s2, $0x0  }
0x41: {  	s3 =	rddreg [dreg:$0x2];
	[bflag:$0x3] =	sbarrier.arrive $0xFFFF;
	s2 =	simm.s32 @!p0 $0x1C02  }
0x42: {  	[timem:s3], [sflag:s2] =	dma.local @!p0 [hbm:s0], s1  }
0x43: {  	s0 =	simm.s32 @!p0 $0x2  }
0x44: {  	_ =	swait.ge @!p0 [sflag:s0], s1  }
0x45: {  	s1 =	ssub.s32 @!p0 $0x0, s1;
	[sflag:s0] =	ssyncset.done @!p0 $0x0  }
0x46: {  	[sflag:s0] =	ssyncadd.s32 @!p0 s1  }
0x47: {  	[bflag:$0x3] =	sbarrier.arrive $0xFFFF  }
0x48: {  	_ =	shalt  }

</sc_bundles>
